<compile_context>
chip_gen: v7x
topology: tpu7x:2x2x1
jax: 0.10.2.dev20260603
libtpu: 0.0.44.dev20260713+nightly
codegen_flags: <defaults>
</compile_context>

<pallas_src>
import functools

import jax
import jax.numpy as jnp
from jax import lax
from jax.experimental import pallas as pl
from jax.experimental.pallas import tpu as pltpu
from jax.experimental.pallas import tpu_sc as plsc

NX = 512
NY = 512
C = 128
P = 60000
S = NX * NY

CH = 128
NCHUNK = (P + CH - 1) // CH
LAST_BASE = P - CH
T = 8192
L = 16

NW = 32
NK = (NCHUNK + NW - 1) // NW
SLICE = P // L // NK


def _chunk_base(j):
    return jnp.minimum(j * CH, LAST_BASE)


FULL = 3752
LAST = P - 15 * FULL


def _idx_body(coords_hbm, idx_hbm, coords_v, idxst_v, sem):
    w = lax.axis_index("s")

    lanes4 = lax.iota(jnp.int32, L) * 4
    start = w * FULL

    @pl.when(w < 15)
    def _():
        pltpu.sync_copy(coords_hbm.at[pl.ds(start * 4, FULL * 4)],
                        coords_v.at[pl.ds(0, FULL * 4)])

    @pl.when(w == 15)
    def _():
        pltpu.sync_copy(coords_hbm.at[pl.ds(start * 4, LAST * 4)],
                        coords_v.at[pl.ds(0, LAST * 4)])

    niter = jnp.where(w < 15, (FULL + L - 1) // L, (LAST + L - 1) // L)

    def dec_step(i, _):
        base4 = i * (L * 4)
        y = plsc.load_gather(coords_v, [lanes4 + base4 + 2])
        x = plsc.load_gather(coords_v, [lanes4 + base4 + 3])
        idxst_v[pl.ds(i * L, L)] = y * NX + x
        return 0

    lax.fori_loop(0, niter, dec_step, 0)

    @pl.when(w < 15)
    def _():
        pltpu.sync_copy(idxst_v.at[pl.ds(0, FULL)],
                        idx_hbm.at[pl.ds(start, FULL)])

    @pl.when(w == 15)
    def _():
        pltpu.sync_copy(idxst_v.at[pl.ds(0, LAST)],
                        idx_hbm.at[pl.ds(start, LAST)])


@functools.partial(jax.jit)
def _idx_call(coords):
    mesh = plsc.VectorSubcoreMesh(core_axis_name="c", subcore_axis_name="s",
                                  num_cores=1)
    f = pl.kernel(
        _idx_body,
        out_type=jax.ShapeDtypeStruct((P,), jnp.int32),
        mesh=mesh,
        scratch_types=[
            pltpu.VMEM((FULL * 4 + 2 * L * 4,), jnp.int32),
            pltpu.VMEM((FULL + L,), jnp.int32),
            pltpu.SemaphoreType.DMA,
        ],
        compiler_params=pltpu.CompilerParams(needs_layout_passes=False,
                                             use_tc_tiling_on_sc=False),
    )
    return f(coords)


WIN = S // NW


def _scatter_body(feat_hbm, idx_hbm, inter_hbm, mask_hbm,
                  feat_v0, feat_v1, idxc_v0, idxc_v1, idx_full_v, win_v,
                  sem_in0, sem_in1, sem_out0, sem_out1, sem_idx):
    wid = lax.axis_index("s") * 2 + lax.axis_index("c")
    lo = wid * WIN

    feat_v = (feat_v0, feat_v1)
    idxc_v = (idxc_v0, idxc_v1)
    sem_in = (sem_in0, sem_in1)
    sem_out = (sem_out0, sem_out1)

    def in_dma(k, b):
        base = _chunk_base(wid + k * NW)
        return (
            pltpu.make_async_copy(idx_hbm.at[pl.ds(base, CH)],
                                  idxc_v[b].at[0], sem_in[b]),
            pltpu.make_async_copy(feat_hbm.at[pl.ds(base, CH), :],
                                  feat_v[b], sem_in[b]),
        )

    def out_dma(b):
        return pltpu.make_async_copy(feat_v[b], inter_hbm.at[idxc_v[b].at[0]],
                                     sem_out[b])

    def valid(k):
        return (wid + k * NW) < NCHUNK

    idx_full_dma = pltpu.make_async_copy(idx_hbm, idx_full_v, sem_idx)
    idx_full_dma.start()

    @pl.when(valid(0))
    def _():
        for d in in_dma(0, 0):
            d.start()

    def zero_step(i, _):
        win_v[pl.ds(i * L, L)] = jnp.zeros((L,), jnp.int32)
        return 0
    lax.fori_loop(0, WIN // L, zero_step, 0)

    ones16 = jnp.full((L,), 1, jnp.int32)

    def scan_group(i):
        v = idx_full_v[pl.ds(i * L, L)]
        local = v - lo
        m = plsc.bitcast(local, jnp.uint32) < jnp.uint32(WIN)
        plsc.store_scatter(win_v, [jnp.where(m, local, 0)], ones16, mask=m)

    UNROLL = 5

    def scan_step(i, _):
        for u in range(UNROLL):
            scan_group(i * UNROLL + u)
        return 0

    for k in range(NK):
        b = k % 2

        if k + 1 < NK:
            @pl.when(valid(k + 1))
            def _(k=k):
                if k - 1 >= 0:
                    @pl.when(valid(k - 1))
                    def _(k=k):
                        out_dma((k + 1) % 2).wait()
                for d in in_dma(k + 1, (k + 1) % 2):
                    d.start()

        if k == 0:
            idx_full_dma.wait()
        lax.fori_loop(k * (SLICE // UNROLL), (k + 1) * (SLICE // UNROLL),
                      scan_step, 0)

        @pl.when(valid(k))
        def _(k=k, b=b):
            for d in in_dma(k, b):
                d.wait()
            out_dma(b).start()

    for k in (NK - 2, NK - 1):
        @pl.when(valid(k))
        def _(k=k):
            out_dma(k % 2).wait()

    pltpu.sync_copy(win_v, mask_hbm.at[pl.ds(lo, WIN)])


@functools.partial(jax.jit)
def _scatter_call(feat, idx):
    mesh = plsc.VectorSubcoreMesh(core_axis_name="c", subcore_axis_name="s")
    f = pl.kernel(
        _scatter_body,
        out_type=(jax.ShapeDtypeStruct((S, C), jnp.float32),
                  jax.ShapeDtypeStruct((S,), jnp.int32)),
        mesh=mesh,
        scratch_types=[
            pltpu.VMEM((CH, C), jnp.float32),
            pltpu.VMEM((CH, C), jnp.float32),
            pltpu.VMEM((1, CH), jnp.int32),
            pltpu.VMEM((1, CH), jnp.int32),
            pltpu.VMEM((P,), jnp.int32),
            pltpu.VMEM((WIN,), jnp.int32),
            pltpu.SemaphoreType.DMA,
            pltpu.SemaphoreType.DMA,
            pltpu.SemaphoreType.DMA,
            pltpu.SemaphoreType.DMA,
            pltpu.SemaphoreType.DMA,
        ],
        compiler_params=pltpu.CompilerParams(needs_layout_passes=False),
    )
    return f(feat, idx)


def _transpose_body(inter_ref, mask_ref, out_ref):
    x = inter_ref[...]
    xt = x.T
    m = mask_ref[0, 0, :]
    o = jnp.where((m != 0)[None, :], xt, 0.0)
    out_ref[...] = o.reshape(C, T // NX, NX)


@functools.partial(jax.jit)
def _transpose_call(inter, mask3d):
    grid = (S // T,)
    yb = T // NX
    return pl.pallas_call(
        _transpose_body,
        grid=grid,
        in_specs=[
            pl.BlockSpec((T, C), lambda g: (g, 0)),
            pl.BlockSpec((1, 1, T), lambda g: (g, 0, 0)),
        ],
        out_specs=pl.BlockSpec((C, yb, NX), lambda g: (0, g, 0)),
        out_shape=jax.ShapeDtypeStruct((C, NY, NX), jnp.float32),
    )(inter, mask3d)


def kernel(pillar_features, coords):
    idx = _idx_call(coords.reshape(-1))
    inter, mask = _scatter_call(pillar_features, idx)
    mask3d = mask.reshape(S // T, 1, T)
    out3 = _transpose_call(inter, mask3d)
    return out3.reshape(1, C, NY, NX)

# --- scband reference (transcript-rebuilt; emitter-appended) ---
"""Pipeline reference for scband-point-pillar-scatter3d-4080218931379 (READ-ONLY COPY).

The authoritative reference and input builder live on the scoring server;
editing this copy changes nothing except your own understanding.
"""

import jax, jax.numpy as jnp
import numpy as np

NX, NY, NZ = 512, 512, 1
NUM_BEV_FEATURES = 128
C = NUM_BEV_FEATURES // NZ
P = 60000


def setup_inputs(seed: int = 0) -> dict:
    key = jax.random.key(seed)
    pillar_features = jax.random.normal(jax.random.fold_in(key, 0), (P, C), dtype=jnp.float32)
    # coords columns: (batch_idx, z, y, x). batch_size == 1 so col0 = 0; nz == 1 so col1 = 0.
    # Unique (y, x) cells so the scatter-overwrite is deterministic (matches real pillar coords,
    # which are unique per voxel by construction).
    perm = jax.random.permutation(jax.random.fold_in(key, 1), NX * NY)[:P]
    yy = (perm // NX).astype(jnp.int32)
    xx = (perm % NX).astype(jnp.int32)
    zz = jnp.zeros((P,), dtype=jnp.int32)
    bb = jnp.zeros((P,), dtype=jnp.int32)
    coords = jnp.stack([bb, zz, yy, xx], axis=1)
    return {"pillar_features": pillar_features, "coords": coords}


def reference(pillar_features, coords):
    batch_size = 1
    spatial_size = NZ * NX * NY
    feats = []
    for b in range(batch_size):
        mask = coords[:, 0] == b
        indices = coords[:, 1] * NY * NX + coords[:, 2] * NX + coords[:, 3]
        # out-of-range index for masked-out pillars; mode='drop' skips them
        safe_idx = jnp.where(mask, indices, spatial_size)
        pillars_t = pillar_features.T  # (C, P)
        sf = jnp.zeros((C, spatial_size), dtype=pillar_features.dtype)
        sf = sf.at[:, safe_idx].set(pillars_t, mode='drop')
        feats.append(sf)
    out = jnp.stack(feats, axis=0)
    out = out.reshape(batch_size, C * NZ, NY, NX)
    return out

if __name__ == "__main__":
    import jax
    _d = setup_inputs()
    print(jax.jit(kernel)(*tuple(_d.values())))

</pallas_src>

<mosaic_0001>
#map = affine_map<(d0, d1) -> (0)>
module attributes {stable_mosaic.version = 14 : i64} {
  func.func @_idx_body(%arg0: i32, %arg1: i32, %arg2: memref<240000xi32, #tpu.memory_space<hbm>>, %arg3: memref<60000xi32, #tpu.memory_space<hbm>>, %arg4: memref<15136xi32, #tpu.memory_space<vmem>>, %arg5: memref<3768xi32, #tpu.memory_space<vmem>>, %arg6: memref<!tpu.dma_semaphore, #tpu.memory_space<semaphore_mem>>) attributes {dimension_semantics = [#tpu.dimension_semantics<core_parallel>, #tpu.dimension_semantics<subcore_parallel>], iteration_bounds = array<i64: 1, 16>, scalar_prefetch = 0 : i64, scratch_operands = 3 : i64, tpu.core_type = #tpu.core_type<sc_vector_subcore>, window_params = [{transform_indices = #map}, {transform_indices = #map}]} {
    %iota3A = tpu.iota {dimensions = array<i32: 0>} : vector<16xi32>
    %mul3A = arith.constant 4 : i32
    %mul3A_0 = vector.broadcast %mul3A : i32 to vector<16xi32>
    %mul3A_1 = arith.muli %iota3A, %mul3A_0 : vector<16xi32>
    %mul3A_2 = arith.constant 3752 : i32
    %mul3A_3 = arith.muli %arg1, %mul3A_2 : i32
    %lt3A = arith.constant 15 : i32
    %lt3A_4 = arith.cmpi slt, %arg1, %lt3A : i32
    %convert_element_type3A = arith.extui %lt3A_4 : i1 to i32
    %cond3A = arith.constant 0 : i32
    %cond3A_5 = arith.cmpi ne, %convert_element_type3A, %cond3A : i32
    scf.if %cond3A_5 {
      %mul3A_34 = arith.constant 4 : i32
      %mul3A_35 = arith.muli %mul3A_3, %mul3A_34 : i32
      "tpu.region"() ({
        %run_scoped3A = tpu.sem_alloc : memref<!tpu.dma_semaphore, #tpu.memory_space<semaphore_mem>>
        %dma_start3A = arith.constant 0 : i32
        %dma_start3A_36 = tpu.memref_slice %arg4[%dma_start3A] : memref<15136xi32, #tpu.memory_space<vmem>> -> memref<15008xi32, #tpu.memory_space<vmem>>
        %dma_start3A_37 = tpu.memref_slice %arg2[%mul3A_35] : memref<240000xi32, #tpu.memory_space<hbm>> -> memref<15008xi32, #tpu.memory_space<hbm>>
        %dma_start3A_38 = arith.constant 0 : i32
        %dma_start3A_39 = tpu.memref_slice %arg4[%dma_start3A_38] : memref<15136xi32, #tpu.memory_space<vmem>> -> memref<15008xi32, #tpu.memory_space<vmem>>
        %dma_start3A_40 = tpu.memref_slice %arg2[%mul3A_35] : memref<240000xi32, #tpu.memory_space<hbm>> -> memref<15008xi32, #tpu.memory_space<hbm>>
        tpu.enqueue_dma source(%dma_start3A_40 : memref<15008xi32, #tpu.memory_space<hbm>>) target(%dma_start3A_39 : memref<15008xi32, #tpu.memory_space<vmem>>) target_semaphore(%run_scoped3A : memref<!tpu.dma_semaphore, #tpu.memory_space<semaphore_mem>>)
        %dma_wait3A = arith.constant 0 : i32
        %dma_wait3A_41 = tpu.memref_slice %arg4[%dma_wait3A] : memref<15136xi32, #tpu.memory_space<vmem>> -> memref<15008xi32, #tpu.memory_space<vmem>>
        %dma_wait3A_42 = tpu.memref_slice %arg2[%mul3A_35] : memref<240000xi32, #tpu.memory_space<hbm>> -> memref<15008xi32, #tpu.memory_space<hbm>>
        %dma_wait3A_43 = arith.constant 0 : i32
        %dma_wait3A_44 = tpu.memref_slice %arg4[%dma_wait3A_43] : memref<15136xi32, #tpu.memory_space<vmem>> -> memref<15008xi32, #tpu.memory_space<vmem>>
        %dma_wait3A_45 = tpu.memref_slice %arg2[%mul3A_35] : memref<240000xi32, #tpu.memory_space<hbm>> -> memref<15008xi32, #tpu.memory_space<hbm>>
        tpu.wait_dma2 semaphore(%run_scoped3A : memref<!tpu.dma_semaphore, #tpu.memory_space<semaphore_mem>>) src(%dma_wait3A_45 : memref<15008xi32, #tpu.memory_space<hbm>>) dst(%dma_wait3A_44 : memref<15008xi32, #tpu.memory_space<vmem>>)
        tpu.yield
      }) : () -> ()
    } else {
    }
    %eq3A = arith.constant 15 : i32
    %eq3A_6 = arith.cmpi eq, %arg1, %eq3A : i32
    %convert_element_type3A_7 = arith.extui %eq3A_6 : i1 to i32
    %cond3A_8 = arith.constant 0 : i32
    %cond3A_9 = arith.cmpi ne, %convert_element_type3A_7, %cond3A_8 : i32
    scf.if %cond3A_9 {
      %mul3A_34 = arith.constant 4 : i32
      %mul3A_35 = arith.muli %mul3A_3, %mul3A_34 : i32
      "tpu.region"() ({
        %run_scoped3A = tpu.sem_alloc : memref<!tpu.dma_semaphore, #tpu.memory_space<semaphore_mem>>
        %dma_start3A = arith.constant 0 : i32
        %dma_start3A_36 = tpu.memref_slice %arg4[%dma_start3A] : memref<15136xi32, #tpu.memory_space<vmem>> -> memref<14880xi32, #tpu.memory_space<vmem>>
        %dma_start3A_37 = tpu.memref_slice %arg2[%mul3A_35] : memref<240000xi32, #tpu.memory_space<hbm>> -> memref<14880xi32, #tpu.memory_space<hbm>>
        %dma_start3A_38 = arith.constant 0 : i32
        %dma_start3A_39 = tpu.memref_slice %arg4[%dma_start3A_38] : memref<15136xi32, #tpu.memory_space<vmem>> -> memref<14880xi32, #tpu.memory_space<vmem>>
        %dma_start3A_40 = tpu.memref_slice %arg2[%mul3A_35] : memref<240000xi32, #tpu.memory_space<hbm>> -> memref<14880xi32, #tpu.memory_space<hbm>>
        tpu.enqueue_dma source(%dma_start3A_40 : memref<14880xi32, #tpu.memory_space<hbm>>) target(%dma_start3A_39 : memref<14880xi32, #tpu.memory_space<vmem>>) target_semaphore(%run_scoped3A : memref<!tpu.dma_semaphore, #tpu.memory_space<semaphore_mem>>)
        %dma_wait3A = arith.constant 0 : i32
        %dma_wait3A_41 = tpu.memref_slice %arg4[%dma_wait3A] : memref<15136xi32, #tpu.memory_space<vmem>> -> memref<14880xi32, #tpu.memory_space<vmem>>
        %dma_wait3A_42 = tpu.memref_slice %arg2[%mul3A_35] : memref<240000xi32, #tpu.memory_space<hbm>> -> memref<14880xi32, #tpu.memory_space<hbm>>
        %dma_wait3A_43 = arith.constant 0 : i32
        %dma_wait3A_44 = tpu.memref_slice %arg4[%dma_wait3A_43] : memref<15136xi32, #tpu.memory_space<vmem>> -> memref<14880xi32, #tpu.memory_space<vmem>>
        %dma_wait3A_45 = tpu.memref_slice %arg2[%mul3A_35] : memref<240000xi32, #tpu.memory_space<hbm>> -> memref<14880xi32, #tpu.memory_space<hbm>>
        tpu.wait_dma2 semaphore(%run_scoped3A : memref<!tpu.dma_semaphore, #tpu.memory_space<semaphore_mem>>) src(%dma_wait3A_45 : memref<14880xi32, #tpu.memory_space<hbm>>) dst(%dma_wait3A_44 : memref<14880xi32, #tpu.memory_space<vmem>>)
        tpu.yield
      }) : () -> ()
    } else {
    }
    %lt3A_10 = arith.constant 15 : i32
    %lt3A_11 = arith.cmpi slt, %arg1, %lt3A_10 : i32
    %jit3A = arith.constant 235 : i32
    %jit3A_12 = arith.constant 233 : i32
    %select_n3A = arith.select %lt3A_11, %jit3A, %jit3A_12 : i32
    %while3A = arith.constant 0 : i32
    %while3A_13 = arith.constant 0 : i32
    %while3A_14 = arith.subi %select_n3A, %while3A : i32
    %while3A_15 = arith.addi %while3A, %while3A_14 : i32
    %while3A_16 = arith.constant 1 : i32
    %while3A_17 = arith.divsi %while3A_14, %while3A_16 : i32
    %while3A_18 = arith.muli %while3A_17, %while3A_16 : i32
    %while3A_19 = arith.addi %while3A, %while3A_18 : i32
    %while3A_20 = arith.constant 1 : i32
    %while3A_21 = scf.for %while3A_34 = %while3A to %while3A_19 step %while3A_20 iter_args(%while3A_35 = %while3A_13) -> (i32)  : i32 {
      %mul3A_36 = arith.constant 64 : i32
      %mul3A_37 = arith.muli %while3A_34, %mul3A_36 : i32
      %add3A = vector.broadcast %mul3A_37 : i32 to vector<16xi32>
      %add3A_38 = arith.addi %mul3A_1, %add3A : vector<16xi32>
      %add3A_39 = arith.constant 2 : i32
      %add3A_40 = vector.broadcast %add3A_39 : i32 to vector<16xi32>
      %add3A_41 = arith.addi %add3A_38, %add3A_40 : vector<16xi32>
      %gather3A = tpu.vector_load_idx %arg4[%add3A_41] : memref<15136xi32, #tpu.memory_space<vmem>>[vector<16xi32>], vector<16xi32>,
      %add3A_42 = vector.broadcast %mul3A_37 : i32 to vector<16xi32>
      %add3A_43 = arith.addi %mul3A_1, %add3A_42 : vector<16xi32>
      %add3A_44 = arith.constant 3 : i32
      %add3A_45 = vector.broadcast %add3A_44 : i32 to vector<16xi32>
      %add3A_46 = arith.addi %add3A_43, %add3A_45 : vector<16xi32>
      %gather3A_47 = tpu.vector_load_idx %arg4[%add3A_46] : memref<15136xi32, #tpu.memory_space<vmem>>[vector<16xi32>], vector<16xi32>,
      %mul3A_48 = arith.constant 512 : i32
      %mul3A_49 = vector.broadcast %mul3A_48 : i32 to vector<16xi32>
      %mul3A_50 = arith.muli %gather3A, %mul3A_49 : vector<16xi32>
      %add3A_51 = arith.addi %mul3A_50, %gather3A_47 : vector<16xi32>
      %mul3A_52 = arith.constant 16 : i32
      %mul3A_53 = arith.muli %while3A_34, %mul3A_52 : i32
      %swap3A = arith.index_cast %mul3A_53 : i32 to index
      %swap3A_54 = tpu.vector_load %arg5[%swap3A] {strides = array<i32>} : memref<3768xi32, #tpu.memory_space<vmem>>, vector<16xi32>,
      tpu.vector_store %arg5[%swap3A], %add3A_51 {strides = array<i32>} : memref<3768xi32, #tpu.memory_space<vmem>>, vector<16xi32>,
      %while3A_55 = arith.constant 0 : i32
      scf.yield %while3A_55 : i32
    }
    %while3A_22 = arith.constant 1 : i32
    %while3A_23 = scf.for %while3A_34 = %while3A_19 to %while3A_15 step %while3A_22 iter_args(%while3A_35 = %while3A_21) -> (i32)  : i32 {
      %mul3A_36 = arith.constant 64 : i32
      %mul3A_37 = arith.muli %while3A_34, %mul3A_36 : i32
      %add3A = vector.broadcast %mul3A_37 : i32 to vector<16xi32>
      %add3A_38 = arith.addi %mul3A_1, %add3A : vector<16xi32>
      %add3A_39 = arith.constant 2 : i32
      %add3A_40 = vector.broadcast %add3A_39 : i32 to vector<16xi32>
      %add3A_41 = arith.addi %add3A_38, %add3A_40 : vector<16xi32>
      %gather3A = tpu.vector_load_idx %arg4[%add3A_41] : memref<15136xi32, #tpu.memory_space<vmem>>[vector<16xi32>], vector<16xi32>,
      %add3A_42 = vector.broadcast %mul3A_37 : i32 to vector<16xi32>
      %add3A_43 = arith.addi %mul3A_1, %add3A_42 : vector<16xi32>
      %add3A_44 = arith.constant 3 : i32
      %add3A_45 = vector.broadcast %add3A_44 : i32 to vector<16xi32>
      %add3A_46 = arith.addi %add3A_43, %add3A_45 : vector<16xi32>
      %gather3A_47 = tpu.vector_load_idx %arg4[%add3A_46] : memref<15136xi32, #tpu.memory_space<vmem>>[vector<16xi32>], vector<16xi32>,
      %mul3A_48 = arith.constant 512 : i32
      %mul3A_49 = vector.broadcast %mul3A_48 : i32 to vector<16xi32>
      %mul3A_50 = arith.muli %gather3A, %mul3A_49 : vector<16xi32>
      %add3A_51 = arith.addi %mul3A_50, %gather3A_47 : vector<16xi32>
      %mul3A_52 = arith.constant 16 : i32
      %mul3A_53 = arith.muli %while3A_34, %mul3A_52 : i32
      %swap3A = arith.index_cast %mul3A_53 : i32 to index
      %swap3A_54 = tpu.vector_load %arg5[%swap3A] {strides = array<i32>} : memref<3768xi32, #tpu.memory_space<vmem>>, vector<16xi32>,
      tpu.vector_store %arg5[%swap3A], %add3A_51 {strides = array<i32>} : memref<3768xi32, #tpu.memory_space<vmem>>, vector<16xi32>,
      %while3A_55 = arith.constant 0 : i32
      scf.yield %while3A_55 : i32
    }
    %lt3A_24 = arith.constant 15 : i32
    %lt3A_25 = arith.cmpi slt, %arg1, %lt3A_24 : i32
    %convert_element_type3A_26 = arith.extui %lt3A_25 : i1 to i32
    %cond3A_27 = arith.constant 0 : i32
    %cond3A_28 = arith.cmpi ne, %convert_element_type3A_26, %cond3A_27 : i32
    scf.if %cond3A_28 {
      "tpu.region"() ({
        %run_scoped3A = tpu.sem_alloc : memref<!tpu.dma_semaphore, #tpu.memory_space<semaphore_mem>>
        %dma_start3A = arith.constant 0 : i32
        %dma_start3A_34 = tpu.memref_slice %arg5[%dma_start3A] : memref<3768xi32, #tpu.memory_space<vmem>> -> memref<3752xi32, #tpu.memory_space<vmem>>
        %dma_start3A_35 = tpu.memref_slice %arg3[%mul3A_3] : memref<60000xi32, #tpu.memory_space<hbm>> -> memref<3752xi32, #tpu.memory_space<hbm>>
        %dma_start3A_36 = tpu.memref_slice %arg3[%mul3A_3] : memref<60000xi32, #tpu.memory_space<hbm>> -> memref<3752xi32, #tpu.memory_space<hbm>>
        %dma_start3A_37 = arith.constant 0 : i32
        %dma_start3A_38 = tpu.memref_slice %arg5[%dma_start3A_37] : memref<3768xi32, #tpu.memory_space<vmem>> -> memref<3752xi32, #tpu.memory_space<vmem>>
        tpu.enqueue_dma source(%dma_start3A_38 : memref<3752xi32, #tpu.memory_space<vmem>>) target(%dma_start3A_36 : memref<3752xi32, #tpu.memory_space<hbm>>) target_semaphore(%run_scoped3A : memref<!tpu.dma_semaphore, #tpu.memory_space<semaphore_mem>>)
        %dma_wait3A = arith.constant 0 : i32
        %dma_wait3A_39 = tpu.memref_slice %arg5[%dma_wait3A] : memref<3768xi32, #tpu.memory_space<vmem>> -> memref<3752xi32, #tpu.memory_space<vmem>>
        %dma_wait3A_40 = tpu.memref_slice %arg3[%mul3A_3] : memref<60000xi32, #tpu.memory_space<hbm>> -> memref<3752xi32, #tpu.memory_space<hbm>>
        %dma_wait3A_41 = tpu.memref_slice %arg3[%mul3A_3] : memref<60000xi32, #tpu.memory_space<hbm>> -> memref<3752xi32, #tpu.memory_space<hbm>>
        %dma_wait3A_42 = arith.constant 0 : i32
        %dma_wait3A_43 = tpu.memref_slice %arg5[%dma_wait3A_42] : memref<3768xi32, #tpu.memory_space<vmem>> -> memref<3752xi32, #tpu.memory_space<vmem>>
        tpu.wait_dma2 semaphore(%run_scoped3A : memref<!tpu.dma_semaphore, #tpu.memory_space<semaphore_mem>>) src(%dma_wait3A_43 : memref<3752xi32, #tpu.memory_space<vmem>>) dst(%dma_wait3A_41 : memref<3752xi32, #tpu.memory_space<hbm>>)
        tpu.yield
      }) : () -> ()
    } else {
    }
    %eq3A_29 = arith.constant 15 : i32
    %eq3A_30 = arith.cmpi eq, %arg1, %eq3A_29 : i32
    %convert_element_type3A_31 = arith.extui %eq3A_30 : i1 to i32
    %cond3A_32 = arith.constant 0 : i32
    %cond3A_33 = arith.cmpi ne, %convert_element_type3A_31, %cond3A_32 : i32
    scf.if %cond3A_33 {
      "tpu.region"() ({
        %run_scoped3A = tpu.sem_alloc : memref<!tpu.dma_semaphore, #tpu.memory_space<semaphore_mem>>
        %dma_start3A = arith.constant 0 : i32
        %dma_start3A_34 = tpu.memref_slice %arg5[%dma_start3A] : memref<3768xi32, #tpu.memory_space<vmem>> -> memref<3720xi32, #tpu.memory_space<vmem>>
        %dma_start3A_35 = tpu.memref_slice %arg3[%mul3A_3] : memref<60000xi32, #tpu.memory_space<hbm>> -> memref<3720xi32, #tpu.memory_space<hbm>>
        %dma_start3A_36 = tpu.memref_slice %arg3[%mul3A_3] : memref<60000xi32, #tpu.memory_space<hbm>> -> memref<3720xi32, #tpu.memory_space<hbm>>
        %dma_start3A_37 = arith.constant 0 : i32
        %dma_start3A_38 = tpu.memref_slice %arg5[%dma_start3A_37] : memref<3768xi32, #tpu.memory_space<vmem>> -> memref<3720xi32, #tpu.memory_space<vmem>>
        tpu.enqueue_dma source(%dma_start3A_38 : memref<3720xi32, #tpu.memory_space<vmem>>) target(%dma_start3A_36 : memref<3720xi32, #tpu.memory_space<hbm>>) target_semaphore(%run_scoped3A : memref<!tpu.dma_semaphore, #tpu.memory_space<semaphore_mem>>)
        %dma_wait3A = arith.constant 0 : i32
        %dma_wait3A_39 = tpu.memref_slice %arg5[%dma_wait3A] : memref<3768xi32, #tpu.memory_space<vmem>> -> memref<3720xi32, #tpu.memory_space<vmem>>
        %dma_wait3A_40 = tpu.memref_slice %arg3[%mul3A_3] : memref<60000xi32, #tpu.memory_space<hbm>> -> memref<3720xi32, #tpu.memory_space<hbm>>
        %dma_wait3A_41 = tpu.memref_slice %arg3[%mul3A_3] : memref<60000xi32, #tpu.memory_space<hbm>> -> memref<3720xi32, #tpu.memory_space<hbm>>
        %dma_wait3A_42 = arith.constant 0 : i32
        %dma_wait3A_43 = tpu.memref_slice %arg5[%dma_wait3A_42] : memref<3768xi32, #tpu.memory_space<vmem>> -> memref<3720xi32, #tpu.memory_space<vmem>>
        tpu.wait_dma2 semaphore(%run_scoped3A : memref<!tpu.dma_semaphore, #tpu.memory_space<semaphore_mem>>) src(%dma_wait3A_43 : memref<3720xi32, #tpu.memory_space<vmem>>) dst(%dma_wait3A_41 : memref<3720xi32, #tpu.memory_space<hbm>>)
        tpu.yield
      }) : () -> ()
    } else {
    }
    return
  }
}

</mosaic_0001>

<sc_bundles>
// kernel: _idx_call.3.cloned.1.call-start
scs
__scs_entry_jumppad:
0x0: {  	(pc) =	sbr.rel $0x88, $3  }
0x1: {  	(tag) =	ssettag $0x0;
	lr =	simm.s32 $0x1  }
0x2: {  	[smem:$0x3FA0] =	sst lr;
	_ =	strace $0xD0000000  }
0x3: {  	_ = 	snop  }
0x4: {  	_ = 	snop  }
0x5: {  	_ = 	snop  }
0x6: {  	_ = 	snop  }
0x7: {  	_ = 	snop  }
__scs_overlays_trampoline_lowered:
0x8: {  	[smem:$0x3FAF] =	sst s0  }
0x9: {  	[smem:$0x3FB0] =	sst s1  }
0xa: {  	[smem:$0x3FB1] =	sst s2  }
0xb: {  	[smem:$0x3FB2] =	sst s3  }
0xc: {  	[smem:$0x3FB3] =	sst s4  }
0xd: {  	[smem:$0x3FB4] =	sst s5  }
0xe: {  	[smem:$0x3FB5] =	sst s6  }
0xf: {  	[smem:$0x3FB6] =	sst s7  }
0x10: {  	[smem:$0x3FB7] =	sst s8  }
0x11: {  	[smem:$0x3FB8] =	sst s9;
	s0 =	simm.s32 @!p0 $0x0  }
0x12: {  	s1 =	sld [smem:$0x3F9E];
	s0 =	simm.s32 @p0 $0x1  }
0x13: {  	[smem:$0x3FB9] =	sst s0;
	s0 =	simm.s32 @!p1 $0x0  }
0x14: {  	s2 =	sld [smem:$0x3F9D];
	s0 =	simm.s32 @p1 $0x1  }
0x15: {  	[smem:$0x3FBA] =	sst s0;
	s0 =	simm.s32 @!p2 $0x0  }
0x16: {  	s3 =	sld [smem:$0x3FDB];
	s0 =	simm.s32 @p2 $0x1  }
0x17: {  	s4 =	simm.s32 $0x1BF5;
	[smem:$0x3FBC] =	sst s0  }
0x18: {  	s0 =	sld [smem:$0x3F9F];
	_ =	swait.ge [sflag:s4], $0x0  }
0x19: {  	s7 =	sld [smem:$0x3FA0]  }
0x1a: {  	s8 =	sadd.s32 $0xFFFFE003, lr  }
0x1b: {  	s9 =	sadd.s32 $0xFFFFFEF7, lr;
	s5 =	simm.s32 $0xFFFFFFFF;
	p2 =	slt.u32 s8, $0xFFFFF086  }
0x1c: {  	p1 =	slt.u32 s9, $0xF7A;
	s5 =	simm.s32 @!p2 $0x0  }
0x1d: {  	s5 =	simm.s32 @p1 $0x1;
	p0 =	seq.s32 s7, s2  }
0x1e: {  	s7 =	smul.u32 @!p0 $0xF7A, s2;
	p2 =	seq.s32 @!p0 s5, $0x0  }
0x1f: {  	s9 =	smul.u32 $0xF7A, s1;
	s8 =	simm.s32 @!p0 $0x1BF5;
	p2 =	por !p2, p0  }
0x20: {  	[sflag:s8] =	ssyncset.s32 @!p0 $0xFFFFF086;
	s6 =	sadd.s32 @!p0 s3, s7;
	s7 =	simm.s32 @!p0 $0x108  }
0x21: {  	s3 =	sadd.s32 s3, s9;
	s6 =	sadd.s32 @!p0 $0x88, s6;
	s7 =	simm.s32 @p2 $0x1082  }
0x22: {  	[simem:s7], [sflag:s8] =	dma.local @!p0 [hbm:s6], $0xF7A  }
0x23: {  	s9 =	sor.u32 $0xD0000000, s2;
	s6 =	simm.s32 $0x108;
	_ =	swait.ge @!p0 [sflag:s8], $0x0  }
0x24: {  	s3 =	sadd.s32 $0x88, s3;
	s6 =	simm.s32 @!p1 $0x1082;
	[sflag:s4] =	ssyncset.s32 $0xFFFFF086  }
0x25: {  	[simem:s6], [sflag:s4] =	dma.local [hbm:s3], $0xF7A  }
0x26: {  	[smem:$0x3FA0] =	sst s1;
	(tag) =	ssettag s2;
	_ =	strace s9  }
0x27: {  	s1 =	sld [smem:$0x3FB0]  }
0x28: {  	s2 =	sld [smem:$0x3FB1]  }
0x29: {  	s4 =	sld [smem:$0x3FB3]  }
0x2a: {  	p0 =	seq.s32 s5, $0x0;
	s5 =	sld [smem:$0x3FB4]  }
0x2b: {  	s6 =	sld [smem:$0x3FB5]  }
0x2c: {  	s7 =	sld [smem:$0x3FB6]  }
0x2d: {  	s3 =	simm.s32 $0x108;
	s8 =	sld [smem:$0x3FB7]  }
0x2e: {  	s3 =	simm.s32 @!p0 $0x1082;
	s9 =	sld [smem:$0x3FB8]  }
0x2f: {  	lr =	sadd.s32 s0, s3;
	s0 =	sld [smem:$0x3FAF]  }
0x30: {  	s3 =	sld [smem:$0x3FB2]  }
0x31: {  	[smem:$0x3FBB] =	sst s10  }
0x32: {  	s10 =	sld [smem:$0x3FB9];
	_ =	sdelay $0x3  }
0x33: {  	p0 =	seq.s32 s10, $0x1;
	s10 =	sld [smem:$0x3FBB];
	_ =	sdelay $0x3  }
0x34: {  	[smem:$0x3FBB] =	sst s10  }
0x35: {  	s10 =	sld [smem:$0x3FBA];
	_ =	sdelay $0x3  }
0x36: {  	p1 =	seq.s32 s10, $0x1;
	s10 =	sld [smem:$0x3FBB];
	_ =	sdelay $0x3  }
0x37: {  	[smem:$0x3FBB] =	sst s10  }
0x38: {  	s10 =	sld [smem:$0x3FBC]  }
0x39: {  	_ = 	snop;
	(pc) =	sbr.ind lr, $3  }
0x3a: {  	_ = 	snop  }
0x3b: {  	_ = 	snop  }
0x3c: {  	p2 =	seq.s32 s10, $0x1;
	s10 =	sld [smem:$0x3FBB]  }
0x3d: {  	_ =	shalt  }
0x3e: {  	_ =	shalt  }
0x3f: {  	_ =	shalt  }
0x40: {  	_ =	shalt  }
0x41: {  	_ =	shalt  }
0x42: {  	_ =	shalt  }
0x43: {  	_ =	shalt  }
0x44: {  	_ =	shalt  }
0x45: {  	_ =	shalt  }
0x46: {  	_ =	shalt  }
0x47: {  	_ =	shalt  }
0x48: {  	_ =	shalt  }
0x49: {  	_ =	shalt  }
0x4a: {  	_ =	shalt  }
0x4b: {  	_ =	shalt  }
0x4c: {  	_ =	shalt  }
0x4d: {  	_ =	shalt  }
0x4e: {  	_ =	shalt  }
0x4f: {  	_ =	shalt  }
0x50: {  	_ =	shalt  }
0x51: {  	_ =	shalt  }
0x52: {  	_ =	shalt  }
0x53: {  	_ =	shalt  }
0x54: {  	_ =	shalt  }
0x55: {  	_ =	shalt  }
0x56: {  	_ =	shalt  }
0x57: {  	_ =	shalt  }
0x58: {  	_ =	shalt  }
0x59: {  	_ =	shalt  }
0x5a: {  	_ =	shalt  }
0x5b: {  	_ =	shalt  }
0x5c: {  	_ =	shalt  }
0x5d: {  	_ =	shalt  }
0x5e: {  	_ =	shalt  }
0x5f: {  	_ =	shalt  }
0x60: {  	_ =	shalt  }
0x61: {  	_ =	shalt  }
0x62: {  	_ =	shalt  }
0x63: {  	_ =	shalt  }
0x64: {  	_ =	shalt  }
0x65: {  	_ =	shalt  }
0x66: {  	_ =	shalt  }
0x67: {  	_ =	shalt  }
0x68: {  	_ =	shalt  }
0x69: {  	_ =	shalt  }
0x6a: {  	_ =	shalt  }
0x6b: {  	_ =	shalt  }
0x6c: {  	_ =	shalt  }
0x6d: {  	_ =	shalt  }
0x6e: {  	_ =	shalt  }
0x6f: {  	_ =	shalt  }
0x70: {  	_ =	shalt  }
0x71: {  	_ =	shalt  }
0x72: {  	_ =	shalt  }
0x73: {  	_ =	shalt  }
0x74: {  	_ =	shalt  }
0x75: {  	_ =	shalt  }
0x76: {  	_ =	shalt  }
0x77: {  	_ =	shalt  }
0x78: {  	_ =	shalt  }
0x79: {  	_ =	shalt  }
0x7a: {  	_ =	shalt  }
0x7b: {  	_ =	shalt  }
0x7c: {  	_ =	shalt  }
0x7d: {  	_ =	shalt  }
0x7e: {  	_ =	shalt  }
0x7f: {  	_ =	shalt  }
0x80: {  	_ =	shalt  }
0x81: {  	_ =	shalt  }
0x82: {  	_ =	shalt  }
0x83: {  	_ =	shalt  }
0x84: {  	_ =	shalt  }
0x85: {  	_ =	shalt  }
0x86: {  	_ =	shalt  }
0x87: {  	_ =	shalt  }
.Lfunc_end0:
.L_simem_size_0:
called_computation_lowered:
.L_overlay_start_0:
0x88: {  	s0 =	sld [smem:$0x3FD9]  }
0x89: {  	s1 =	sld [smem:$0x3FFE];
	_ =	sdelay $0x3  }
0x8a: {  	s0 =	sadd.s32 s1, s0  }
0x8b: {  	[smem:$0x3FC7] =	sst s0  }
0x8c: {  	_ = 	snop  }
0x8d: {  	s0 =	sld [smem:$0x3FC9]  }
0x8e: {  	s17 =	sld [smem:$0x3FD0];
	(tm) =	ssettm $0x1  }
0x8f: {  	s2 =	sld [smem:$0x3FFB];
	_ =	sdelay $0x3  }
0x90: {  	_ =	strace s2  }
0x91: {  	s2 =	sld [smem:$0x3FFC];
	_ =	sdelay $0x3  }
0x92: {  	_ =	strace s2  }
0x93: {  	s2 =	sld [smem:$0x3FFD];
	_ =	sdelay $0x3  }
0x94: {  	_ =	strace s2  }
0x95: {  	_ =	strace $0x8FFFFFFF  }
0x96: {  	s18 =	sld [smem:$0x3FDB];
	_ =	sdelay $0x1  }
0x97: {  	s3 =	simm.s32 $_scs_section_size  }
0x98: {  	s4 =	simm.s32 $_size__tile_overlayer_lowered;
	s5 =	simm.s32 $_tile_overlayer_lowered  }
0x99: {  	s21 =	simm.s32 $0x1BFF;
	s20 =	sshll.u32 s5, $0x1;
	s2 =	sadd.s32 s3, s18  }
0x9a: {  	s6 =	simm.s32 $0x0;
	s19 =	sshll.u32 s4, $0x1;
	s4 =	sadd.s32 s20, s2  }
0x9b: {  	[timem:s6], [sflag:s21] =	dma.local [hbm:s4], s19  }
0x9c: {  	_ =	swait.ge [sflag:s21], s19  }
0x9d: {  	s3 =	ssub.s32 $0x0, s19;
	[sflag:s21] =	ssyncset.done $0x0  }
0x9e: {  	[sflag:s21] =	ssyncadd.s32 s3;
	_ =	sdelay $0x1  }
0x9f: {  	s22 =	simm.s32 $0x1B8B  }
0xa0: {  	_ =	swait.ge [sflag:s22], $0x1  }
0xa1: {  	[sflag:s22] =	ssyncset.done $0x0  }
0xa2: {  	s23 =	simm.s32 $0x1B8E;
	[sflag:s22] =	ssyncadd.s32 $0xFFFFFFFF  }
0xa3: {  	s24 =	simm.s32 $execute0_lowered;
	[smem:$0x3FD2] =	sst s23  }
0xa4: {  	s3 =	sshll.u32 s24, $0x1;
	_ =	strace $0x80000046;
	[dreg:$0x1] =	wrdreg $0xFFFFFFFF  }
0xa5: {  	s25 =	simm.s32 $_size_execute0_lowered;
	s2 =	sadd.s32 s2, s3;
	[dreg:$0x0] =	wrdreg $0x0  }
0xa6: {  	s3 =	sshll.u32 s25, $0x1;
	[dreg:$0x2] =	wrdreg s2  }
0xa7: {  	[dreg:$0x3] =	wrdreg s3  }
0xa8: {  	[dreg:$0x4] =	wrdreg $0xC0  }
0xa9: {  	_ =	task [dreg:s6], $0x5FFFF  }
0xaa: {  	[dreg:$0x1] =	wrdreg $0xFFFFFFFF  }
0xab: {  	[dreg:$0x0] =	wrdreg $0x60  }
0xac: {  	[dreg:$0x2] =	wrdreg s0  }
0xad: {  	[dreg:$0x3] =	wrdreg s17  }
0xae: {  	[dreg:$0x4] =	wrdreg $0x9  }
0xaf: {  	_ =	task.clear_ibuf [dreg:s6], $0x5FFFF;
	_ =	strace $0x90000046  }
0xb0: {  	s26 =	simm.s32 $0x9;
	_ =	strace $0x80000048  }
0xb1: {  	_ =	swait.ge [sflag:s26], $0x1  }
0xb2: {  	[sflag:s26] =	ssyncadd.s32 $0xFFFFFFFF  }
0xb3: {  	_ =	strace $0x90000048  }
0xb4: {  	_ =	sfence  }
0xb5: {  	s28 =	sld [smem:$0x0];
	_ =	sdelay $0x1  }
0xb6: {  	s29 =	srdreg.scid  }
0xb7: {  	s30 =	sshll.u32 s29, $0xD;
	s31 =	sshrl.u32 s29, $0x2  }
0xb8: {  	s1 =	sand.u32 $0x1, s29;
	s2 =	sand.u32 $0x4000, s30;
	s0 =	sadd.s32 s31, s28  }
0xb9: {  	s1 =	sor.u32 s2, s1;
	s0 =	sshll.u32 s0, $0x11  }
0xba: {  	s0 =	sor.u32 s0, s1  }
0xbb: {  	s0 =	sadd.s32 $0x8F2B, s0  }
0xbc: {  	[sflag:s0] =	ssyncadd.remote.s32 $0x1  }
0xbd: {  	_ =	sfence.sel $0xFFFF  }
0xbe: {  	[dreg:$0x0] =	wrdreg $0xFFFFFFFF;
	(pc) =	sbr.abs _section_cstart, $3  }
0xbf: {  	[dreg:$0x1] =	wrdreg $0xFFFFFFFF  }
0xc0: {  	_ =	task.clear_ibuf [dreg:s6], $0x2FFFF;
	_ =	strace $0x9FFFFFFF  }
0xc1: {  	(tm) =	ssettm $0x7FFFFFFF  }
tec
execute0_lowered:
.L_overlay_start_1:
0x0: {  	(tag) =	ssettag $0x1  }
0x1: {  	s5 =	rddreg [dreg:$0x0]  }
0x2: {  	s8 =	rddreg [dreg:$0x1]  }
0x3: {  	s0 =	rddreg [dreg:$0x2];
	s4 =	simm.s32 $0x0;
	s1 =	stileid.u32  }
0x4: {  	[smem:$0x7FF] =	sst s4;
	p0 =	seq.s32 s1, $0xF  }
0x5: {  	_ =	strace $0x80000047;
	s2 =	sadd.s32 @p0 $0x6DEC, s5;
	s3 =	simm.s32 @p0 $0x0  }
0x6: {  	[tilespmem:s3], [sflag:$0x1] =	stream.linear.gather @p0 [hbm4b:s2+s3], $0x3A20, $0x38;
	[tilespmem:$0x49D8] =	vst v63  }
0x7: {  	v0 =	vlaneseq.u32;
	s6 =	smul.u32 @!p0 $0x754, s1;
	s2 =	simm.s32 @p0 $0x1  }
0x8: {  	v1 =	vmul.u32 $0x4, v0;
	s7 =	simm.s32 @!p0 $0xEB;
	_ =	swait.ge @p0 [sflag:s2], $0x3A20  }
0x9: {  	s7 =	simm.s32 @p0 $0xE9;
	s6 =	sadd.s32 @!p0 s5, s6;
	[sflag:s2] =	ssyncset.done @p0 $0x0  }
0xa: {  	v0 =	vor.u32 $0x2, v1;
	s5 =	simm.s32 @!p0 $0x0;
	s9 =	sshll.u32 s7, $0x6;
	[sflag:s2] =	ssyncadd.s32 @p0 $0xFFFFC5E0  }
0xb: {  	v1 =	vor.u32 $0x3, v1;
	v2 =	vor.u32 s4, v0;
	[tilespmem:s5], [sflag:$0x1] =	stream.linear.gather @!p0 [hbm4b:s6+s5], $0x3AA0, $0x38;
	[tilespmem:$0x49D8] =	vst v63  }
0xc: {  	v3 =	vor.u32 s4, v1;
	p1 =	sne.s32 s9, $0x40;
	s6 =	simm.s32 @!p0 $0x1  }
.Ltmp0:
0xd: {  	_ =	swait.ge @!p0 [sflag:s6], $0x3AA0;
	(pc) =	sbr.rel @!p1 .LBB2_1-.Ltmp0, $4  }
0xe: {  	[sflag:s6] =	ssyncset.done @!p0 $0x0  }
0xf: {  	s10 =	smul.u32 $0x1D5, s1;
	[sflag:s6] =	ssyncadd.s32 @!p0 $0xFFFFC560  }
0x10: {  	s11 =	simm.s32 $0x40;
	v2 =	vld.idx.msk [tilespmem:v2+s4+$0x0], $0xffff  }
0x11: {  	s7 =	sadd.s32 s8, s10;
	s8 =	sadd.s32 $0x1B7B, s8;
	s10 =	simm.s32 $0x0;
	v3 =	vld.idx.msk [tilespmem:v3+s4+$0x0], $0xffff  }
.LBB2_2:
0x12: {  	_ = 	snop  }
0x13: {  	v4 =	vor.u32 s11, v0;
	s12 =	smov.u32 s11;
	s11 =	sadd.s32 $0x40, s11  }
0x14: {  	v5 =	vor.u32 s12, v1;
	p1 =	sne.s32 s9, s11  }
.Ltmp1:
0x15: {  	v2 =	vshll.u32 v2, $0x9;
	(pc) =	sbr.rel @p1 .LBB2_2-.Ltmp1, $4  }
0x16: {  	s13 =	sshra.s32 s10, $0x2;
	s10 =	smov.u32 s12;
	v2 =	vadd.s32 v3, v2  }
0x17: {  	[tilespmem:s13+$0x3B20] =	vst v2  }
0x18: {  	v2 =	vld.idx.msk [tilespmem:v4+s4+$0x0], $0xffff  }
0x19: {  	v3 =	vld.idx.msk [tilespmem:v5+s4+$0x0], $0xffff  }
.LBB2_3:
0x1a: {  	_ =	sdelay $0x2  }
0x1b: {  	v0 =	vshll.u32 v2, $0x9  }
0x1c: {  	s4 =	sshra.s32 s10, $0x2;
	v0 =	vadd.s32 v3, v0  }
0x1d: {  	[tilespmem:s4+$0x3B20] =	vst v0;
	s4 =	simm.s32 @p0 $0x3B20  }
0x1e: {  	[hbm4b:s8+s3] =	stream.linear.scatter @p0 [tilespmem:s4], [sflag:$0x1], $0xE88, $0x38;
	[tilespmem:$0x49D8] =	vst v63  }
0x1f: {  	_ =	swait.ge @p0 [sflag:s2], $0xE88  }
0x20: {  	[sflag:s2] =	ssyncset.done @p0 $0x0  }
0x21: {  	[sflag:s2] =	ssyncadd.s32 @p0 $0xFFFFF178;
	s2 =	simm.s32 @!p0 $0x3B20  }
0x22: {  	[hbm4b:s7+s5] =	stream.linear.scatter @!p0 [tilespmem:s2], [sflag:$0x1], $0xEA8, $0x38;
	[tilespmem:$0x49D8] =	vst v63  }
0x23: {  	_ =	swait.ge @!p0 [sflag:s6], $0xEA8  }
0x24: {  	[sflag:s6] =	ssyncset.done @!p0 $0x0  }
0x25: {  	[sflag:s6] =	ssyncadd.s32 @!p0 $0xFFFFF158  }
0x26: {  	_ =	sfence.sel $0x180000  }
0x27: {  	[bflag:$0x0] =	sbarrier.arrive $0xFFFF  }
0x28: {  	p0 =	sne.s32 s1, $0x0;
	_ =	strace $0x90000047  }
0x29: {  	s0 =	sadd.s32 @!p0 $0x100000, s0;
	[bflag:$0x2] =	sbarrier.arrive $0xFFFF  }
0x2a: {  	[sflag:s0] =	ssyncadd.tile.s32 @!p0 $0x1;
	_ =	shalt  }
.LBB2_1:
.Ltmp2:
0x2b: {  	(pc) =	sbr.rel .LBB2_3-.Ltmp2, $2  }
0x2c: {  	_ =	sdelay $0x2  }
0x2d: {  	s10 =	simm.s32 $0x0  }
.Lfunc_end2:
_tile_overlayer_lowered:
.L_overlay_start_2:
0x2e: {  	(tag) =	ssettag $0x2  }
0x2f: {  	s0 =	rddreg [dreg:$0x0];
	s2 =	stileid.u32  }
0x30: {  	s1 =	rddreg [dreg:$0x1];
	p0 =	sne.s32 s2, $0x0  }
0x31: {  	s3 =	rddreg [dreg:$0x2];
	[bflag:$0x3] =	sbarrier.arrive $0xFFFF;
	s2 =	simm.s32 @!p0 $0x1C01  }
0x32: {  	[timem:s3], [sflag:s2] =	dma.local @!p0 [hbm:s0], s1  }
0x33: {  	s0 =	simm.s32 @!p0 $0x1  }
0x34: {  	_ =	swait.ge @!p0 [sflag:s0], s1  }
0x35: {  	s1 =	ssub.s32 @!p0 $0x0, s1;
	[sflag:s0] =	ssyncset.done @!p0 $0x0  }
0x36: {  	[sflag:s0] =	ssyncadd.s32 @!p0 s1  }
0x37: {  	[bflag:$0x3] =	sbarrier.arrive $0xFFFF  }
0x38: {  	_ =	shalt  }

</sc_bundles>
